<compile_context>
chip_gen: v7x
topology: tpu7x:2x2x1
jax: 0.10.2.dev20260603
libtpu: 0.0.44.dev20260713+nightly
codegen_flags: <defaults>
</compile_context>

<pallas_src>
import functools

import jax
import jax.numpy as jnp
from jax.experimental import pallas as pl
from jax.experimental.pallas import tpu as pltpu

E = 8
TOP_K = 2
D_MODEL = 768
IN_DIM = 900
B = 128
L = 16
EPS = 1e-9

PAIRS = B * TOP_K
BLK_PAIRS = 8
NUM_BLOCKS = PAIRS // BLK_PAIRS + (E - 1)
SLOTS = NUM_BLOCKS * BLK_PAIRS


def _routing_body(logits_ref, mask_ref, gates_ref, idx_ref):
    x = logits_ref[...]
    m = (mask_ref[...] == 1).astype(jnp.float32)
    x = x - jnp.max(x, axis=1, keepdims=True)
    ex = jnp.exp(x)
    probs = ex / jnp.sum(ex, axis=1, keepdims=True)
    g = probs * m
    col = jax.lax.broadcasted_iota(jnp.int32, (B, E), 1)
    m1 = jnp.max(g, axis=1, keepdims=True)
    i1 = jnp.min(jnp.where(g == m1, col, E), axis=1)
    g2 = jnp.where(col == i1[:, None], -1.0, g)
    m2 = jnp.max(g2, axis=1, keepdims=True)
    i2 = jnp.min(jnp.where(g2 == m2, col, E), axis=1)
    denorm = m1[:, 0] + m2[:, 0] + EPS
    gates_ref[:, 0] = m1[:, 0] / denorm
    gates_ref[:, 1] = m2[:, 0] / denorm
    idx_ref[:, 0] = i1
    idx_ref[:, 1] = i2


def _matmul_body(blk_e_ref, src_b_ref, x0, x1, x2, x3, x4, x5, x6, x7,
                 w_ref, bias_ref, gate_ref, out_ref):
    del blk_e_ref, src_b_ref
    x_blk = jnp.concatenate(
        [x0[0], x1[0], x2[0], x3[0], x4[0], x5[0], x6[0], x7[0]], axis=0
    )
    w = w_ref[0]
    y = jax.lax.dot_general(
        x_blk, w, (((1,), (1,)), ((), ())),
        preferred_element_type=jnp.float32)
    out_ref[0] = (y + bias_ref[0]) * gate_ref[0]


def _combine_body(slot_ref, a_ref, b_ref, out_ref):
    del slot_ref
    out_ref[0] = (a_ref[0] + b_ref[0]).astype(jnp.bfloat16)


@jax.jit
def kernel(cycle_curve_data, logits, moe_masks, W, b):
    gates2, idx2 = pl.pallas_call(
        _routing_body,
        out_shape=(
            jax.ShapeDtypeStruct((B, TOP_K), jnp.float32),
            jax.ShapeDtypeStruct((B, TOP_K), jnp.int32),
        ),
    )(logits, moe_masks)

    flat_e = idx2.reshape(PAIRS)
    flat_b = jnp.repeat(jnp.arange(B, dtype=jnp.int32), TOP_K)
    flat_g = gates2.reshape(PAIRS)
    n_e = jnp.zeros((E,), jnp.int32).at[flat_e].add(1)
    m_e = ((n_e + BLK_PAIRS - 1) // BLK_PAIRS) * BLK_PAIRS
    bound = jnp.cumsum(m_e)
    padded_off = bound - m_e
    order = jnp.argsort(flat_e, stable=True)
    es = flat_e[order]
    n_off = jnp.cumsum(n_e) - n_e
    slot_s = padded_off[es] + (jnp.arange(PAIRS, dtype=jnp.int32) - n_off[es])
    slot_flat = jnp.zeros((PAIRS,), jnp.int32).at[order].set(slot_s)
    src_b = jnp.zeros((SLOTS,), jnp.int32).at[slot_s].set(flat_b[order])
    gate_slots = jnp.zeros((SLOTS,), jnp.float32).at[slot_s].set(flat_g[order])
    block_expert = jnp.clip(
        jnp.searchsorted(bound, BLK_PAIRS * jnp.arange(NUM_BLOCKS), side="right"),
        0, E - 1).astype(jnp.int32)
    src_b2 = src_b.reshape(NUM_BLOCKS, BLK_PAIRS)
    gate3 = jnp.repeat(gate_slots, L).reshape(NUM_BLOCKS, BLK_PAIRS * L, 1)
    slot_of = slot_flat.reshape(B, TOP_K)

    def x_map(j):
        return lambda i, be, sb: (sb[i, j], 0, 0)

    b3 = b.reshape(E, 1, D_MODEL)
    out_pairs = pl.pallas_call(
        _matmul_body,
        grid_spec=pltpu.PrefetchScalarGridSpec(
            num_scalar_prefetch=2,
            grid=(NUM_BLOCKS,),
            in_specs=[
                *[pl.BlockSpec((1, L, IN_DIM), x_map(j)) for j in range(BLK_PAIRS)],
                pl.BlockSpec((1, D_MODEL, IN_DIM), lambda i, be, sb: (be[i], 0, 0)),
                pl.BlockSpec((1, 1, D_MODEL), lambda i, be, sb: (be[i], 0, 0)),
                pl.BlockSpec((1, BLK_PAIRS * L, 1), lambda i, be, sb: (i, 0, 0)),
            ],
            out_specs=pl.BlockSpec((1, BLK_PAIRS * L, D_MODEL),
                                   lambda i, be, sb: (i, 0, 0)),
        ),
        out_shape=jax.ShapeDtypeStruct((NUM_BLOCKS, BLK_PAIRS * L, D_MODEL),
                                       jnp.float32),
    )(block_expert, src_b2,
      *([cycle_curve_data] * BLK_PAIRS), W, b3, gate3)

    pair_out = out_pairs.reshape(SLOTS, L, D_MODEL)
    final = pl.pallas_call(
        _combine_body,
        grid_spec=pltpu.PrefetchScalarGridSpec(
            num_scalar_prefetch=1,
            grid=(B,),
            in_specs=[
                pl.BlockSpec((1, L, D_MODEL), lambda i, sl: (sl[i, 0], 0, 0)),
                pl.BlockSpec((1, L, D_MODEL), lambda i, sl: (sl[i, 1], 0, 0)),
            ],
            out_specs=pl.BlockSpec((1, L, D_MODEL), lambda i, sl: (i, 0, 0)),
        ),
        out_shape=jax.ShapeDtypeStruct((B, L, D_MODEL), jnp.bfloat16),
    )(slot_of, pair_out, pair_out)

    return final

# --- scband reference (transcript-rebuilt; emitter-appended) ---
"""Pipeline reference for scband-battery-mo-eflatten-intra-cycle-mo-elayer-79310866088194 (READ-ONLY COPY).

The authoritative reference and input builder live on the scoring server;
editing this copy changes nothing except your own understanding.
"""

import jax, jax.numpy as jnp
import numpy as np

E = 8
TOP_K = 2
D_MODEL = 768
IN_DIM = 900  # charge_discharge_length * 3
B = 128
L = 16
EPS = 1e-9


def setup_inputs(seed: int = 0) -> dict:
    key = jax.random.key(seed)
    ks = jax.random.split(key, 5)
    cycle_curve_data = jax.random.normal(ks[0], (B, L, IN_DIM), dtype=jnp.float32)
    logits = jax.random.normal(ks[1], (B, E), dtype=jnp.float32)
    moe_masks = jax.random.randint(ks[2], (B, E), 0, 2).astype(jnp.int32)
    # expert parameters: nn.Linear(IN_DIM, D_MODEL) per expert, stacked
    W = jax.random.normal(ks[3], (E, D_MODEL, IN_DIM), dtype=jnp.float32) * (1.0 / np.sqrt(IN_DIM))
    b = jax.random.normal(ks[4], (E, D_MODEL), dtype=jnp.float32) * 0.01
    return {"cycle_curve_data": cycle_curve_data, "logits": logits, "moe_masks": moe_masks, "W": W, "b": b}


def reference(cycle_curve_data, logits, moe_masks, W, b):
    # mask = where(moe_masks == 1, 1, 0)
    mask = (moe_masks == 1).astype(logits.dtype)
    probs = jax.nn.softmax(logits, axis=1)
    gates = probs * mask
    # top-k mask via scatter on indices (indices are non-differentiable constants)
    _, idx = jax.lax.top_k(gates, TOP_K)
    rows = jnp.arange(B)[:, None]
    topk_mask = jnp.zeros((B, E), dtype=bool).at[rows, idx].set(True)
    gates = gates * topk_mask
    denorm = jnp.sum(gates, axis=1) + EPS
    gates = gates / denorm[:, None]
    # Dispatch/combine: mathematically identical to MOEDispatcher routing --
    # experts with zero gate contribute exactly zero to the combined output.
    outs = jnp.einsum('bli,eoi->eblo', cycle_curve_data, W) + b[:, None, None, :]
    final = jnp.einsum('eblo,be->blo', outs, gates)
    # eval mode: guide_loss = LB_loss = 0; return the combined output
    return final.astype(jnp.bfloat16)

if __name__ == "__main__":
    import jax
    _d = setup_inputs()
    print(jax.jit(kernel)(*tuple(_d.values())))

</pallas_src>

<mosaic_0001>
module attributes {stable_mosaic.version = 14 : i64} {
  func.func @_routing_body(%arg0: memref<128x8xf32, #tpu.memory_space<vmem>>, %arg1: memref<128x8xi32, #tpu.memory_space<vmem>>, %arg2: memref<128x2xf32, #tpu.memory_space<vmem>>, %arg3: memref<128x2xi32, #tpu.memory_space<vmem>>) attributes {dimension_semantics = [], scalar_prefetch = 0 : i64, scratch_operands = 0 : i64, tpu.core_type = #tpu.core_type<tc>} {
    %get3A = arith.constant 0 : index
    %get3A_0 = arith.constant 0 : index
    %get3A_1 = vector.load %arg0[%get3A, %get3A_0] : memref<128x8xf32, #tpu.memory_space<vmem>>, vector<128x8xf32>
    %get3A_2 = arith.constant 0 : index
    %get3A_3 = arith.constant 0 : index
    %get3A_4 = vector.load %arg1[%get3A_2, %get3A_3] : memref<128x8xi32, #tpu.memory_space<vmem>>, vector<128x8xi32>
    %eq3A = arith.constant 1 : i32
    %eq3A_5 = vector.broadcast %eq3A : i32 to vector<128x8xi32>
    %eq3A_6 = arith.cmpi eq, %get3A_4, %eq3A_5 : vector<128x8xi32>
    %convert_element_type3A = arith.extui %eq3A_6 : vector<128x8xi1> to vector<128x8xi32>
    %convert_element_type3A_7 = arith.sitofp %convert_element_type3A : vector<128x8xi32> to vector<128x8xf32>
    %reduce_max3A = arith.constant dense<0xFF800000> : vector<128xf32>
    %reduce_max3A_8 = vector.multi_reduction <maximumf>, %get3A_1, %reduce_max3A [1] : vector<128x8xf32> to vector<128xf32>
    %broadcast_in_dim3A = vector.shape_cast %reduce_max3A_8 : vector<128xf32> to vector<128x1xf32>
    %sub3A = vector.broadcast %broadcast_in_dim3A : vector<128x1xf32> to vector<128x8xf32>
    %sub3A_9 = arith.subf %get3A_1, %sub3A : vector<128x8xf32>
    %exp3A = math.exp %sub3A_9 : vector<128x8xf32>
    %reduce_sum3A = arith.constant dense<0.000000e+00> : vector<128xf32>
    %reduce_sum3A_10 = vector.multi_reduction <add>, %exp3A, %reduce_sum3A [1] : vector<128x8xf32> to vector<128xf32>
    %broadcast_in_dim3A_11 = vector.shape_cast %reduce_sum3A_10 : vector<128xf32> to vector<128x1xf32>
    %div3A = vector.broadcast %broadcast_in_dim3A_11 : vector<128x1xf32> to vector<128x8xf32>
    %div3A_12 = arith.divf %exp3A, %div3A : vector<128x8xf32>
    %mul3A = arith.mulf %div3A_12, %convert_element_type3A_7 : vector<128x8xf32>
    %iota3A = tpu.iota {dimensions = array<i32: 1>} : vector<128x8xi32>
    %reduce_max3A_13 = arith.constant dense<0xFF800000> : vector<128xf32>
    %reduce_max3A_14 = vector.multi_reduction <maximumf>, %mul3A, %reduce_max3A_13 [1] : vector<128x8xf32> to vector<128xf32>
    %broadcast_in_dim3A_15 = vector.shape_cast %reduce_max3A_14 : vector<128xf32> to vector<128x1xf32>
    %eq3A_16 = vector.broadcast %broadcast_in_dim3A_15 : vector<128x1xf32> to vector<128x8xf32>
    %eq3A_17 = arith.cmpf oeq, %mul3A, %eq3A_16 : vector<128x8xf32>
    %jit3A = arith.constant 8 : i32
    %broadcast_in_dim3A_18 = vector.broadcast %jit3A : i32 to vector<128x8xi32>
    %select_n3A = arith.select %eq3A_17, %iota3A, %broadcast_in_dim3A_18 : vector<128x8xi1>, vector<128x8xi32>
    %reduce_min3A = arith.constant dense<2147483647> : vector<128xi32>
    %reduce_min3A_19 = vector.multi_reduction <minsi>, %select_n3A, %reduce_min3A [1] : vector<128x8xi32> to vector<128xi32>
    %broadcast_in_dim3A_20 = vector.shape_cast %reduce_min3A_19 : vector<128xi32> to vector<128x1xi32>
    %eq3A_21 = vector.broadcast %broadcast_in_dim3A_20 : vector<128x1xi32> to vector<128x8xi32>
    %eq3A_22 = arith.cmpi eq, %iota3A, %eq3A_21 : vector<128x8xi32>
    %jit3A_23 = arith.constant -1.000000e+00 : f32
    %broadcast_in_dim3A_24 = vector.broadcast %jit3A_23 : f32 to vector<128x8xf32>
    %select_n3A_25 = arith.select %eq3A_22, %broadcast_in_dim3A_24, %mul3A : vector<128x8xi1>, vector<128x8xf32>
    %reduce_max3A_26 = arith.constant dense<0xFF800000> : vector<128xf32>
    %reduce_max3A_27 = vector.multi_reduction <maximumf>, %select_n3A_25, %reduce_max3A_26 [1] : vector<128x8xf32> to vector<128xf32>
    %broadcast_in_dim3A_28 = vector.shape_cast %reduce_max3A_27 : vector<128xf32> to vector<128x1xf32>
    %eq3A_29 = vector.broadcast %broadcast_in_dim3A_28 : vector<128x1xf32> to vector<128x8xf32>
    %eq3A_30 = arith.cmpf oeq, %select_n3A_25, %eq3A_29 : vector<128x8xf32>
    %jit3A_31 = arith.constant 8 : i32
    %broadcast_in_dim3A_32 = vector.broadcast %jit3A_31 : i32 to vector<128x8xi32>
    %select_n3A_33 = arith.select %eq3A_30, %iota3A, %broadcast_in_dim3A_32 : vector<128x8xi1>, vector<128x8xi32>
    %reduce_min3A_34 = arith.constant dense<2147483647> : vector<128xi32>
    %reduce_min3A_35 = vector.multi_reduction <minsi>, %select_n3A_33, %reduce_min3A_34 [1] : vector<128x8xi32> to vector<128xi32>
    %squeeze3A = vector.shape_cast %broadcast_in_dim3A_15 : vector<128x1xf32> to vector<128xf32>
    %squeeze3A_36 = vector.shape_cast %broadcast_in_dim3A_28 : vector<128x1xf32> to vector<128xf32>
    %add3A = arith.addf %squeeze3A, %squeeze3A_36 : vector<128xf32>
    %add3A_37 = arith.constant 9.99999971E-10 : f32
    %add3A_38 = vector.broadcast %add3A_37 : f32 to vector<128xf32>
    %add3A_39 = arith.addf %add3A, %add3A_38 : vector<128xf32>
    %squeeze3A_40 = vector.shape_cast %broadcast_in_dim3A_15 : vector<128x1xf32> to vector<128xf32>
    %div3A_41 = arith.divf %squeeze3A_40, %add3A_39 : vector<128xf32>
    %swap3A = arith.constant 0 : index
    %swap3A_42 = arith.constant 0 : index
    %swap3A_43 = vector.load %arg2[%swap3A, %swap3A_42] : memref<128x2xf32, #tpu.memory_space<vmem>>, vector<128x1xf32>
    %swap3A_44 = vector.shape_cast %swap3A_43 : vector<128x1xf32> to vector<128xf32>
    %swap3A_45 = vector.shape_cast %div3A_41 : vector<128xf32> to vector<128x1xf32>
    tpu.vector_store %arg2[%swap3A, %swap3A_42], %swap3A_45 {strides = array<i32>} : memref<128x2xf32, #tpu.memory_space<vmem>>, vector<128x1xf32>,
    %squeeze3A_46 = vector.shape_cast %broadcast_in_dim3A_28 : vector<128x1xf32> to vector<128xf32>
    %div3A_47 = arith.divf %squeeze3A_46, %add3A_39 : vector<128xf32>
    %swap3A_48 = arith.constant 0 : index
    %swap3A_49 = arith.constant 1 : index
    %swap3A_50 = vector.load %arg2[%swap3A_48, %swap3A_49] : memref<128x2xf32, #tpu.memory_space<vmem>>, vector<128x1xf32>
    %swap3A_51 = vector.shape_cast %swap3A_50 : vector<128x1xf32> to vector<128xf32>
    %swap3A_52 = vector.shape_cast %div3A_47 : vector<128xf32> to vector<128x1xf32>
    tpu.vector_store %arg2[%swap3A_48, %swap3A_49], %swap3A_52 {strides = array<i32>} : memref<128x2xf32, #tpu.memory_space<vmem>>, vector<128x1xf32>,
    %swap3A_53 = arith.constant 0 : index
    %swap3A_54 = arith.constant 0 : index
    %swap3A_55 = vector.load %arg3[%swap3A_53, %swap3A_54] : memref<128x2xi32, #tpu.memory_space<vmem>>, vector<128x1xi32>
    %swap3A_56 = vector.shape_cast %swap3A_55 : vector<128x1xi32> to vector<128xi32>
    %swap3A_57 = vector.shape_cast %reduce_min3A_19 : vector<128xi32> to vector<128x1xi32>
    tpu.vector_store %arg3[%swap3A_53, %swap3A_54], %swap3A_57 {strides = array<i32>} : memref<128x2xi32, #tpu.memory_space<vmem>>, vector<128x1xi32>,
    %swap3A_58 = arith.constant 0 : index
    %swap3A_59 = arith.constant 1 : index
    %swap3A_60 = vector.load %arg3[%swap3A_58, %swap3A_59] : memref<128x2xi32, #tpu.memory_space<vmem>>, vector<128x1xi32>
    %swap3A_61 = vector.shape_cast %swap3A_60 : vector<128x1xi32> to vector<128xi32>
    %swap3A_62 = vector.shape_cast %reduce_min3A_35 : vector<128xi32> to vector<128x1xi32>
    tpu.vector_store %arg3[%swap3A_58, %swap3A_59], %swap3A_62 {strides = array<i32>} : memref<128x2xi32, #tpu.memory_space<vmem>>, vector<128x1xi32>,
    return
  }
}

module attributes {stable_mosaic.version = 14 : i64} {
  func.func @_combine_body(%arg0: i32, %arg1: memref<128x2xi32, #tpu.memory_space<smem>>, %arg2: memref<1x16x768xf32, #tpu.memory_space<vmem>>, %arg3: memref<1x16x768xf32, #tpu.memory_space<vmem>>, %arg4: memref<1x16x768xbf16, #tpu.memory_space<vmem>>) attributes {dimension_semantics = [#tpu.dimension_semantics<arbitrary>], iteration_bounds = array<i64: 128>, scalar_prefetch = 1 : i64, scratch_operands = 0 : i64, tpu.core_type = #tpu.core_type<tc>, window_params = [{transform_indices = @transform_0, window_bounds = array<i64: 1, 16, 768>}, {transform_indices = @transform_1, window_bounds = array<i64: 1, 16, 768>}, {transform_indices = @transform_2, window_bounds = array<i64: 1, 16, 768>}]} {
    %get3A = arith.constant 0 : index
    %get3A_0 = arith.constant 0 : index
    %get3A_1 = arith.constant 0 : index
    %get3A_2 = vector.load %arg2[%get3A, %get3A_0, %get3A_1] : memref<1x16x768xf32, #tpu.memory_space<vmem>>, vector<1x16x768xf32>
    %get3A_3 = vector.shape_cast %get3A_2 : vector<1x16x768xf32> to vector<16x768xf32>
    %get3A_4 = arith.constant 0 : index
    %get3A_5 = arith.constant 0 : index
    %get3A_6 = arith.constant 0 : index
    %get3A_7 = vector.load %arg3[%get3A_4, %get3A_5, %get3A_6] : memref<1x16x768xf32, #tpu.memory_space<vmem>>, vector<1x16x768xf32>
    %get3A_8 = vector.shape_cast %get3A_7 : vector<1x16x768xf32> to vector<16x768xf32>
    %add3A = arith.addf %get3A_3, %get3A_8 : vector<16x768xf32>
    %convert_element_type3A = arith.truncf %add3A : vector<16x768xf32> to vector<16x768xbf16>
    %swap3A = arith.constant 0 : index
    %swap3A_9 = arith.constant 0 : index
    %swap3A_10 = arith.constant 0 : index
    %swap3A_11 = vector.load %arg4[%swap3A, %swap3A_9, %swap3A_10] : memref<1x16x768xbf16, #tpu.memory_space<vmem>>, vector<1x16x768xbf16>
    %swap3A_12 = vector.shape_cast %swap3A_11 : vector<1x16x768xbf16> to vector<16x768xbf16>
    %swap3A_13 = vector.shape_cast %convert_element_type3A : vector<16x768xbf16> to vector<1x16x768xbf16>
    tpu.vector_store %arg4[%swap3A, %swap3A_9, %swap3A_10], %swap3A_13 {strides = array<i32>} : memref<1x16x768xbf16, #tpu.memory_space<vmem>>, vector<1x16x768xbf16>,
    return
  }
  func.func @transform_0(%arg0: i32, %arg1: memref<128x2xi32, #tpu.memory_space<smem>>) -> (i32, i32, i32) {
    %get3A = arith.index_cast %arg0 : i32 to index
    %get3A_0 = arith.constant 0 : index
    %get3A_1 = memref.load %arg1[%get3A, %get3A_0] : memref<128x2xi32, #tpu.memory_space<smem>>
    %c0_i32 = arith.constant 0 : i32
    %c0_i32_2 = arith.constant 0 : i32
    %c0_i32_3 = arith.constant 0 : i32
    return %get3A_1, %c0_i32, %c0_i32_2 : i32, i32, i32
  }
  func.func @transform_1(%arg0: i32, %arg1: memref<128x2xi32, #tpu.memory_space<smem>>) -> (i32, i32, i32) {
    %get3A = arith.index_cast %arg0 : i32 to index
    %get3A_0 = arith.constant 1 : index
    %get3A_1 = memref.load %arg1[%get3A, %get3A_0] : memref<128x2xi32, #tpu.memory_space<smem>>
    %c0_i32 = arith.constant 0 : i32
    %c0_i32_2 = arith.constant 0 : i32
    %c0_i32_3 = arith.constant 0 : i32
    return %get3A_1, %c0_i32, %c0_i32_2 : i32, i32, i32
  }
  func.func @transform_2(%arg0: i32, %arg1: memref<128x2xi32, #tpu.memory_space<smem>>) -> (i32, i32, i32) {
    %c0_i32 = arith.constant 0 : i32
    %c0_i32_0 = arith.constant 0 : i32
    %c0_i32_1 = arith.constant 0 : i32
    return %arg0, %c0_i32, %c0_i32_0 : i32, i32, i32
  }
}

module attributes {stable_mosaic.version = 14 : i64} {
  func.func @_matmul_body(%arg0: i32, %arg1: memref<39xi32, #tpu.memory_space<smem>>, %arg2: memref<39x8xi32, #tpu.memory_space<smem>>, %arg3: memref<1x16x900xf32, #tpu.memory_space<vmem>>, %arg4: memref<1x16x900xf32, #tpu.memory_space<vmem>>, %arg5: memref<1x16x900xf32, #tpu.memory_space<vmem>>, %arg6: memref<1x16x900xf32, #tpu.memory_space<vmem>>, %arg7: memref<1x16x900xf32, #tpu.memory_space<vmem>>, %arg8: memref<1x16x900xf32, #tpu.memory_space<vmem>>, %arg9: memref<1x16x900xf32, #tpu.memory_space<vmem>>, %arg10: memref<1x16x900xf32, #tpu.memory_space<vmem>>, %arg11: memref<1x768x900xf32, #tpu.memory_space<vmem>>, %arg12: memref<1x1x768xf32, #tpu.memory_space<vmem>>, %arg13: memref<1x128x1xf32, #tpu.memory_space<vmem>>, %arg14: memref<1x128x768xf32, #tpu.memory_space<vmem>>) attributes {dimension_semantics = [#tpu.dimension_semantics<arbitrary>], iteration_bounds = array<i64: 39>, scalar_prefetch = 2 : i64, scratch_operands = 0 : i64, tpu.core_type = #tpu.core_type<tc>, window_params = [{transform_indices = @transform_0, window_bounds = array<i64: 1, 16, 900>}, {transform_indices = @transform_1, window_bounds = array<i64: 1, 16, 900>}, {transform_indices = @transform_2, window_bounds = array<i64: 1, 16, 900>}, {transform_indices = @transform_3, window_bounds = array<i64: 1, 16, 900>}, {transform_indices = @transform_4, window_bounds = array<i64: 1, 16, 900>}, {transform_indices = @transform_5, window_bounds = array<i64: 1, 16, 900>}, {transform_indices = @transform_6, window_bounds = array<i64: 1, 16, 900>}, {transform_indices = @transform_7, window_bounds = array<i64: 1, 16, 900>}, {transform_indices = @transform_8, window_bounds = array<i64: 1, 768, 900>}, {transform_indices = @transform_9, window_bounds = array<i64: 1, 1, 768>}, {transform_indices = @transform_10, window_bounds = array<i64: 1, 128, 1>}, {transform_indices = @transform_11, window_bounds = array<i64: 1, 128, 768>}]} {
    %get3A = arith.constant 0 : index
    %get3A_0 = arith.constant 0 : index
    %get3A_1 = arith.constant 0 : index
    %get3A_2 = vector.load %arg3[%get3A, %get3A_0, %get3A_1] : memref<1x16x900xf32, #tpu.memory_space<vmem>>, vector<1x16x900xf32>
    %get3A_3 = vector.shape_cast %get3A_2 : vector<1x16x900xf32> to vector<16x900xf32>
    %get3A_4 = arith.constant 0 : index
    %get3A_5 = arith.constant 0 : index
    %get3A_6 = arith.constant 0 : index
    %get3A_7 = vector.load %arg4[%get3A_4, %get3A_5, %get3A_6] : memref<1x16x900xf32, #tpu.memory_space<vmem>>, vector<1x16x900xf32>
    %get3A_8 = vector.shape_cast %get3A_7 : vector<1x16x900xf32> to vector<16x900xf32>
    %get3A_9 = arith.constant 0 : index
    %get3A_10 = arith.constant 0 : index
    %get3A_11 = arith.constant 0 : index
    %get3A_12 = vector.load %arg5[%get3A_9, %get3A_10, %get3A_11] : memref<1x16x900xf32, #tpu.memory_space<vmem>>, vector<1x16x900xf32>
    %get3A_13 = vector.shape_cast %get3A_12 : vector<1x16x900xf32> to vector<16x900xf32>
    %get3A_14 = arith.constant 0 : index
    %get3A_15 = arith.constant 0 : index
    %get3A_16 = arith.constant 0 : index
    %get3A_17 = vector.load %arg6[%get3A_14, %get3A_15, %get3A_16] : memref<1x16x900xf32, #tpu.memory_space<vmem>>, vector<1x16x900xf32>
    %get3A_18 = vector.shape_cast %get3A_17 : vector<1x16x900xf32> to vector<16x900xf32>
    %get3A_19 = arith.constant 0 : index
    %get3A_20 = arith.constant 0 : index
    %get3A_21 = arith.constant 0 : index
    %get3A_22 = vector.load %arg7[%get3A_19, %get3A_20, %get3A_21] : memref<1x16x900xf32, #tpu.memory_space<vmem>>, vector<1x16x900xf32>
    %get3A_23 = vector.shape_cast %get3A_22 : vector<1x16x900xf32> to vector<16x900xf32>
    %get3A_24 = arith.constant 0 : index
    %get3A_25 = arith.constant 0 : index
    %get3A_26 = arith.constant 0 : index
    %get3A_27 = vector.load %arg8[%get3A_24, %get3A_25, %get3A_26] : memref<1x16x900xf32, #tpu.memory_space<vmem>>, vector<1x16x900xf32>
    %get3A_28 = vector.shape_cast %get3A_27 : vector<1x16x900xf32> to vector<16x900xf32>
    %get3A_29 = arith.constant 0 : index
    %get3A_30 = arith.constant 0 : index
    %get3A_31 = arith.constant 0 : index
    %get3A_32 = vector.load %arg9[%get3A_29, %get3A_30, %get3A_31] : memref<1x16x900xf32, #tpu.memory_space<vmem>>, vector<1x16x900xf32>
    %get3A_33 = vector.shape_cast %get3A_32 : vector<1x16x900xf32> to vector<16x900xf32>
    %get3A_34 = arith.constant 0 : index
    %get3A_35 = arith.constant 0 : index
    %get3A_36 = arith.constant 0 : index
    %get3A_37 = vector.load %arg10[%get3A_34, %get3A_35, %get3A_36] : memref<1x16x900xf32, #tpu.memory_space<vmem>>, vector<1x16x900xf32>
    %get3A_38 = vector.shape_cast %get3A_37 : vector<1x16x900xf32> to vector<16x900xf32>
    %concatenate3A = tpu.concatenate %get3A_3, %get3A_8, %get3A_13, %get3A_18, %get3A_23, %get3A_28, %get3A_33, %get3A_38 in 0 : vector<16x900xf32>, vector<16x900xf32>, vector<16x900xf32>, vector<16x900xf32>, vector<16x900xf32>, vector<16x900xf32>, vector<16x900xf32>, vector<16x900xf32> -> vector<128x900xf32>
    %get3A_39 = arith.constant 0 : index
    %get3A_40 = arith.constant 0 : index
    %get3A_41 = arith.constant 0 : index
    %get3A_42 = vector.load %arg11[%get3A_39, %get3A_40, %get3A_41] : memref<1x768x900xf32, #tpu.memory_space<vmem>>, vector<1x768x900xf32>
    %get3A_43 = vector.shape_cast %get3A_42 : vector<1x768x900xf32> to vector<768x900xf32>
    %dot_general3A = arith.constant dense<0.000000e+00> : vector<128x768xf32>
    %dot_general3A_44 = tpu.matmul %concatenate3A, %get3A_43, %dot_general3A {dimension_numbers = #tpu.dot_dimension_numbers<[1], [1], [0], [0], [0, 0, 1, 0], [], []>, transpose_lhs_hint = false} : vector<128x900xf32>, vector<768x900xf32>, vector<128x768xf32> -> vector<128x768xf32>
    %get3A_45 = arith.constant 0 : index
    %get3A_46 = arith.constant 0 : index
    %get3A_47 = arith.constant 0 : index
    %get3A_48 = vector.load %arg12[%get3A_45, %get3A_46, %get3A_47] : memref<1x1x768xf32, #tpu.memory_space<vmem>>, vector<1x1x768xf32>
    %get3A_49 = vector.shape_cast %get3A_48 : vector<1x1x768xf32> to vector<1x768xf32>
    %add3A = vector.broadcast %get3A_49 : vector<1x768xf32> to vector<128x768xf32>
    %add3A_50 = arith.addf %dot_general3A_44, %add3A : vector<128x768xf32>
    %get3A_51 = arith.constant 0 : index
    %get3A_52 = arith.constant 0 : index
    %get3A_53 = arith.constant 0 : index
    %get3A_54 = vector.load %arg13[%get3A_51, %get3A_52, %get3A_53] : memref<1x128x1xf32, #tpu.memory_space<vmem>>, vector<1x128x1xf32>
    %get3A_55 = vector.shape_cast %get3A_54 : vector<1x128x1xf32> to vector<128x1xf32>
    %mul3A = vector.broadcast %get3A_55 : vector<128x1xf32> to vector<128x768xf32>
    %mul3A_56 = arith.mulf %add3A_50, %mul3A : vector<128x768xf32>
    %swap3A = arith.constant 0 : index
    %swap3A_57 = arith.constant 0 : index
    %swap3A_58 = arith.constant 0 : index
    %swap3A_59 = vector.load %arg14[%swap3A, %swap3A_57, %swap3A_58] : memref<1x128x768xf32, #tpu.memory_space<vmem>>, vector<1x128x768xf32>
    %swap3A_60 = vector.shape_cast %swap3A_59 : vector<1x128x768xf32> to vector<128x768xf32>
    %swap3A_61 = vector.shape_cast %mul3A_56 : vector<128x768xf32> to vector<1x128x768xf32>
    tpu.vector_store %arg14[%swap3A, %swap3A_57, %swap3A_58], %swap3A_61 {strides = array<i32>} : memref<1x128x768xf32, #tpu.memory_space<vmem>>, vector<1x128x768xf32>,
    return
  }
  func.func @transform_0(%arg0: i32, %arg1: memref<39xi32, #tpu.memory_space<smem>>, %arg2: memref<39x8xi32, #tpu.memory_space<smem>>) -> (i32, i32, i32) {
    %get3A = arith.index_cast %arg0 : i32 to index
    %get3A_0 = arith.constant 0 : index
    %get3A_1 = memref.load %arg2[%get3A, %get3A_0] : memref<39x8xi32, #tpu.memory_space<smem>>
    %c0_i32 = arith.constant 0 : i32
    %c0_i32_2 = arith.constant 0 : i32
    %c0_i32_3 = arith.constant 0 : i32
    return %get3A_1, %c0_i32, %c0_i32_2 : i32, i32, i32
  }
  func.func @transform_1(%arg0: i32, %arg1: memref<39xi32, #tpu.memory_space<smem>>, %arg2: memref<39x8xi32, #tpu.memory_space<smem>>) -> (i32, i32, i32) {
    %get3A = arith.index_cast %arg0 : i32 to index
    %get3A_0 = arith.constant 1 : index
    %get3A_1 = memref.load %arg2[%get3A, %get3A_0] : memref<39x8xi32, #tpu.memory_space<smem>>
    %c0_i32 = arith.constant 0 : i32
    %c0_i32_2 = arith.constant 0 : i32
    %c0_i32_3 = arith.constant 0 : i32
    return %get3A_1, %c0_i32, %c0_i32_2 : i32, i32, i32
  }
  func.func @transform_2(%arg0: i32, %arg1: memref<39xi32, #tpu.memory_space<smem>>, %arg2: memref<39x8xi32, #tpu.memory_space<smem>>) -> (i32, i32, i32) {
    %get3A = arith.index_cast %arg0 : i32 to index
    %get3A_0 = arith.constant 2 : index
    %get3A_1 = memref.load %arg2[%get3A, %get3A_0] : memref<39x8xi32, #tpu.memory_space<smem>>
    %c0_i32 = arith.constant 0 : i32
    %c0_i32_2 = arith.constant 0 : i32
    %c0_i32_3 = arith.constant 0 : i32
    return %get3A_1, %c0_i32, %c0_i32_2 : i32, i32, i32
  }
  func.func @transform_3(%arg0: i32, %arg1: memref<39xi32, #tpu.memory_space<smem>>, %arg2: memref<39x8xi32, #tpu.memory_space<smem>>) -> (i32, i32, i32) {
    %get3A = arith.index_cast %arg0 : i32 to index
    %get3A_0 = arith.constant 3 : index
    %get3A_1 = memref.load %arg2[%get3A, %get3A_0] : memref<39x8xi32, #tpu.memory_space<smem>>
    %c0_i32 = arith.constant 0 : i32
    %c0_i32_2 = arith.constant 0 : i32
    %c0_i32_3 = arith.constant 0 : i32
    return %get3A_1, %c0_i32, %c0_i32_2 : i32, i32, i32
  }
  func.func @transform_4(%arg0: i32, %arg1: memref<39xi32, #tpu.memory_space<smem>>, %arg2: memref<39x8xi32, #tpu.memory_space<smem>>) -> (i32, i32, i32) {
    %get3A = arith.index_cast %arg0 : i32 to index
    %get3A_0 = arith.constant 4 : index
    %get3A_1 = memref.load %arg2[%get3A, %get3A_0] : memref<39x8xi32, #tpu.memory_space<smem>>
    %c0_i32 = arith.constant 0 : i32
    %c0_i32_2 = arith.constant 0 : i32
    %c0_i32_3 = arith.constant 0 : i32
    return %get3A_1, %c0_i32, %c0_i32_2 : i32, i32, i32
  }
  func.func @transform_5(%arg0: i32, %arg1: memref<39xi32, #tpu.memory_space<smem>>, %arg2: memref<39x8xi32, #tpu.memory_space<smem>>) -> (i32, i32, i32) {
    %get3A = arith.index_cast %arg0 : i32 to index
    %get3A_0 = arith.constant 5 : index
    %get3A_1 = memref.load %arg2[%get3A, %get3A_0] : memref<39x8xi32, #tpu.memory_space<smem>>
    %c0_i32 = arith.constant 0 : i32
    %c0_i32_2 = arith.constant 0 : i32
    %c0_i32_3 = arith.constant 0 : i32
    return %get3A_1, %c0_i32, %c0_i32_2 : i32, i32, i32
  }
  func.func @transform_6(%arg0: i32, %arg1: memref<39xi32, #tpu.memory_space<smem>>, %arg2: memref<39x8xi32, #tpu.memory_space<smem>>) -> (i32, i32, i32) {
    %get3A = arith.index_cast %arg0 : i32 to index
    %get3A_0 = arith.constant 6 : index
    %get3A_1 = memref.load %arg2[%get3A, %get3A_0] : memref<39x8xi32, #tpu.memory_space<smem>>
    %c0_i32 = arith.constant 0 : i32
    %c0_i32_2 = arith.constant 0 : i32
    %c0_i32_3 = arith.constant 0 : i32
    return %get3A_1, %c0_i32, %c0_i32_2 : i32, i32, i32
  }
  func.func @transform_7(%arg0: i32, %arg1: memref<39xi32, #tpu.memory_space<smem>>, %arg2: memref<39x8xi32, #tpu.memory_space<smem>>) -> (i32, i32, i32) {
    %get3A = arith.index_cast %arg0 : i32 to index
    %get3A_0 = arith.constant 7 : index
    %get3A_1 = memref.load %arg2[%get3A, %get3A_0] : memref<39x8xi32, #tpu.memory_space<smem>>
    %c0_i32 = arith.constant 0 : i32
    %c0_i32_2 = arith.constant 0 : i32
    %c0_i32_3 = arith.constant 0 : i32
    return %get3A_1, %c0_i32, %c0_i32_2 : i32, i32, i32
  }
  func.func @transform_8(%arg0: i32, %arg1: memref<39xi32, #tpu.memory_space<smem>>, %arg2: memref<39x8xi32, #tpu.memory_space<smem>>) -> (i32, i32, i32) {
    %get3A = arith.index_cast %arg0 : i32 to index
    %get3A_0 = memref.load %arg1[%get3A] : memref<39xi32, #tpu.memory_space<smem>>
    %c0_i32 = arith.constant 0 : i32
    %c0_i32_1 = arith.constant 0 : i32
    %c0_i32_2 = arith.constant 0 : i32
    return %get3A_0, %c0_i32, %c0_i32_1 : i32, i32, i32
  }
  func.func @transform_9(%arg0: i32, %arg1: memref<39xi32, #tpu.memory_space<smem>>, %arg2: memref<39x8xi32, #tpu.memory_space<smem>>) -> (i32, i32, i32) {
    %get3A = arith.index_cast %arg0 : i32 to index
    %get3A_0 = memref.load %arg1[%get3A] : memref<39xi32, #tpu.memory_space<smem>>
    %c0_i32 = arith.constant 0 : i32
    %c0_i32_1 = arith.constant 0 : i32
    %c0_i32_2 = arith.constant 0 : i32
    return %get3A_0, %c0_i32, %c0_i32_1 : i32, i32, i32
  }
  func.func @transform_10(%arg0: i32, %arg1: memref<39xi32, #tpu.memory_space<smem>>, %arg2: memref<39x8xi32, #tpu.memory_space<smem>>) -> (i32, i32, i32) {
    %c0_i32 = arith.constant 0 : i32
    %c0_i32_0 = arith.constant 0 : i32
    %c0_i32_1 = arith.constant 0 : i32
    return %arg0, %c0_i32, %c0_i32_0 : i32, i32, i32
  }
  func.func @transform_11(%arg0: i32, %arg1: memref<39xi32, #tpu.memory_space<smem>>, %arg2: memref<39x8xi32, #tpu.memory_space<smem>>) -> (i32, i32, i32) {
    %c0_i32 = arith.constant 0 : i32
    %c0_i32_0 = arith.constant 0 : i32
    %c0_i32_1 = arith.constant 0 : i32
    return %arg0, %c0_i32, %c0_i32_0 : i32, i32, i32
  }
}

</mosaic_0001>

<sc_bundles>
// kernel: scatter_offload_async_start
scs
__scs_entry_jumppad:
0x0: {  	(pc) =	sbr.rel $0x88, $3  }
0x1: {  	(tag) =	ssettag $0x0;
	lr =	simm.s32 $0x1  }
0x2: {  	[smem:$0x3F9C] =	sst lr;
	_ =	strace $0xD0000000  }
0x3: {  	_ = 	snop  }
0x4: {  	_ = 	snop  }
0x5: {  	_ = 	snop  }
0x6: {  	_ = 	snop  }
0x7: {  	_ = 	snop  }
__scs_overlays_trampoline_lowered:
0x8: {  	[smem:$0x3FAB] =	sst s0  }
0x9: {  	[smem:$0x3FAC] =	sst s1  }
0xa: {  	[smem:$0x3FAD] =	sst s2  }
0xb: {  	[smem:$0x3FAE] =	sst s3  }
0xc: {  	[smem:$0x3FAF] =	sst s4  }
0xd: {  	[smem:$0x3FB0] =	sst s5  }
0xe: {  	[smem:$0x3FB1] =	sst s6  }
0xf: {  	[smem:$0x3FB2] =	sst s7  }
0x10: {  	[smem:$0x3FB3] =	sst s8  }
0x11: {  	[smem:$0x3FB4] =	sst s9;
	s0 =	simm.s32 @!p0 $0x0  }
0x12: {  	s1 =	sld [smem:$0x3F9A];
	s0 =	simm.s32 @p0 $0x1  }
0x13: {  	[smem:$0x3FB5] =	sst s0;
	s0 =	simm.s32 @!p1 $0x0  }
0x14: {  	s2 =	sld [smem:$0x3F99];
	s0 =	simm.s32 @p1 $0x1  }
0x15: {  	[smem:$0x3FB6] =	sst s0;
	s0 =	simm.s32 @!p2 $0x0  }
0x16: {  	s3 =	sld [smem:$0x3FDB];
	s0 =	simm.s32 @p2 $0x1  }
0x17: {  	s4 =	simm.s32 $0x1BF5;
	[smem:$0x3FB8] =	sst s0  }
0x18: {  	s0 =	sld [smem:$0x3F9B];
	_ =	swait.ge [sflag:s4], $0x0  }
0x19: {  	s7 =	sld [smem:$0x3F9C]  }
0x1a: {  	s8 =	sadd.s32 $0xFFFFE003, lr  }
0x1b: {  	s9 =	sadd.s32 $0xFFFFFEF7, lr;
	s5 =	simm.s32 $0xFFFFFFFF;
	p2 =	slt.u32 s8, $0xFFFFF086  }
0x1c: {  	p1 =	slt.u32 s9, $0xF7A;
	s5 =	simm.s32 @!p2 $0x0  }
0x1d: {  	s5 =	simm.s32 @p1 $0x1;
	p0 =	seq.s32 s7, s2  }
0x1e: {  	s7 =	smul.u32 @!p0 $0xF7A, s2;
	p2 =	seq.s32 @!p0 s5, $0x0  }
0x1f: {  	s9 =	smul.u32 $0xF7A, s1;
	s8 =	simm.s32 @!p0 $0x1BF5;
	p2 =	por !p2, p0  }
0x20: {  	[sflag:s8] =	ssyncset.s32 @!p0 $0xFFFFF086;
	s6 =	sadd.s32 @!p0 s3, s7;
	s7 =	simm.s32 @!p0 $0x108  }
0x21: {  	s3 =	sadd.s32 s3, s9;
	s6 =	sadd.s32 @!p0 $0x88, s6;
	s7 =	simm.s32 @p2 $0x1082  }
0x22: {  	[simem:s7], [sflag:s8] =	dma.local @!p0 [hbm:s6], $0xF7A  }
0x23: {  	s9 =	sor.u32 $0xD0000000, s2;
	s6 =	simm.s32 $0x108;
	_ =	swait.ge @!p0 [sflag:s8], $0x0  }
0x24: {  	s3 =	sadd.s32 $0x88, s3;
	s6 =	simm.s32 @!p1 $0x1082;
	[sflag:s4] =	ssyncset.s32 $0xFFFFF086  }
0x25: {  	[simem:s6], [sflag:s4] =	dma.local [hbm:s3], $0xF7A  }
0x26: {  	[smem:$0x3F9C] =	sst s1;
	(tag) =	ssettag s2;
	_ =	strace s9  }
0x27: {  	s1 =	sld [smem:$0x3FAC]  }
0x28: {  	s2 =	sld [smem:$0x3FAD]  }
0x29: {  	s4 =	sld [smem:$0x3FAF]  }
0x2a: {  	p0 =	seq.s32 s5, $0x0;
	s5 =	sld [smem:$0x3FB0]  }
0x2b: {  	s6 =	sld [smem:$0x3FB1]  }
0x2c: {  	s7 =	sld [smem:$0x3FB2]  }
0x2d: {  	s3 =	simm.s32 $0x108;
	s8 =	sld [smem:$0x3FB3]  }
0x2e: {  	s3 =	simm.s32 @!p0 $0x1082;
	s9 =	sld [smem:$0x3FB4]  }
0x2f: {  	lr =	sadd.s32 s0, s3;
	s0 =	sld [smem:$0x3FAB]  }
0x30: {  	s3 =	sld [smem:$0x3FAE]  }
0x31: {  	[smem:$0x3FB7] =	sst s10  }
0x32: {  	s10 =	sld [smem:$0x3FB5];
	_ =	sdelay $0x3  }
0x33: {  	p0 =	seq.s32 s10, $0x1;
	s10 =	sld [smem:$0x3FB7];
	_ =	sdelay $0x3  }
0x34: {  	[smem:$0x3FB7] =	sst s10  }
0x35: {  	s10 =	sld [smem:$0x3FB6];
	_ =	sdelay $0x3  }
0x36: {  	p1 =	seq.s32 s10, $0x1;
	s10 =	sld [smem:$0x3FB7];
	_ =	sdelay $0x3  }
0x37: {  	[smem:$0x3FB7] =	sst s10  }
0x38: {  	s10 =	sld [smem:$0x3FB8]  }
0x39: {  	_ = 	snop;
	(pc) =	sbr.ind lr, $3  }
0x3a: {  	_ = 	snop  }
0x3b: {  	_ = 	snop  }
0x3c: {  	p2 =	seq.s32 s10, $0x1;
	s10 =	sld [smem:$0x3FB7]  }
0x3d: {  	_ =	shalt  }
0x3e: {  	_ =	shalt  }
0x3f: {  	_ =	shalt  }
0x40: {  	_ =	shalt  }
0x41: {  	_ =	shalt  }
0x42: {  	_ =	shalt  }
0x43: {  	_ =	shalt  }
0x44: {  	_ =	shalt  }
0x45: {  	_ =	shalt  }
0x46: {  	_ =	shalt  }
0x47: {  	_ =	shalt  }
0x48: {  	_ =	shalt  }
0x49: {  	_ =	shalt  }
0x4a: {  	_ =	shalt  }
0x4b: {  	_ =	shalt  }
0x4c: {  	_ =	shalt  }
0x4d: {  	_ =	shalt  }
0x4e: {  	_ =	shalt  }
0x4f: {  	_ =	shalt  }
0x50: {  	_ =	shalt  }
0x51: {  	_ =	shalt  }
0x52: {  	_ =	shalt  }
0x53: {  	_ =	shalt  }
0x54: {  	_ =	shalt  }
0x55: {  	_ =	shalt  }
0x56: {  	_ =	shalt  }
0x57: {  	_ =	shalt  }
0x58: {  	_ =	shalt  }
0x59: {  	_ =	shalt  }
0x5a: {  	_ =	shalt  }
0x5b: {  	_ =	shalt  }
0x5c: {  	_ =	shalt  }
0x5d: {  	_ =	shalt  }
0x5e: {  	_ =	shalt  }
0x5f: {  	_ =	shalt  }
0x60: {  	_ =	shalt  }
0x61: {  	_ =	shalt  }
0x62: {  	_ =	shalt  }
0x63: {  	_ =	shalt  }
0x64: {  	_ =	shalt  }
0x65: {  	_ =	shalt  }
0x66: {  	_ =	shalt  }
0x67: {  	_ =	shalt  }
0x68: {  	_ =	shalt  }
0x69: {  	_ =	shalt  }
0x6a: {  	_ =	shalt  }
0x6b: {  	_ =	shalt  }
0x6c: {  	_ =	shalt  }
0x6d: {  	_ =	shalt  }
0x6e: {  	_ =	shalt  }
0x6f: {  	_ =	shalt  }
0x70: {  	_ =	shalt  }
0x71: {  	_ =	shalt  }
0x72: {  	_ =	shalt  }
0x73: {  	_ =	shalt  }
0x74: {  	_ =	shalt  }
0x75: {  	_ =	shalt  }
0x76: {  	_ =	shalt  }
0x77: {  	_ =	shalt  }
0x78: {  	_ =	shalt  }
0x79: {  	_ =	shalt  }
0x7a: {  	_ =	shalt  }
0x7b: {  	_ =	shalt  }
0x7c: {  	_ =	shalt  }
0x7d: {  	_ =	shalt  }
0x7e: {  	_ =	shalt  }
0x7f: {  	_ =	shalt  }
0x80: {  	_ =	shalt  }
0x81: {  	_ =	shalt  }
0x82: {  	_ =	shalt  }
0x83: {  	_ =	shalt  }
0x84: {  	_ =	shalt  }
0x85: {  	_ =	shalt  }
0x86: {  	_ =	shalt  }
0x87: {  	_ =	shalt  }
.Lfunc_end0:
.L_simem_size_0:
called_computation_lowered:
.L_overlay_start_0:
0x88: {  	s0 =	sld [smem:$0x3FD9]  }
0x89: {  	s1 =	sld [smem:$0x3FFE];
	_ =	sdelay $0x3  }
0x8a: {  	s0 =	sadd.s32 s1, s0  }
0x8b: {  	[smem:$0x3FC3] =	sst s0  }
0x8c: {  	_ = 	snop  }
0x8d: {  	s0 =	sld [smem:$0x3FD0];
	(tm) =	ssettm $0x1  }
0x8e: {  	s16 =	sld [smem:$0x3FFB];
	_ =	sdelay $0x3  }
0x8f: {  	_ =	strace s16  }
0x90: {  	s1 =	sld [smem:$0x3FFC];
	_ =	sdelay $0x3  }
0x91: {  	_ =	strace s1  }
0x92: {  	s1 =	sld [smem:$0x3FFD];
	_ =	sdelay $0x3  }
0x93: {  	_ =	strace s1  }
0x94: {  	_ =	strace $0x8FFFFFFF  }
0x95: {  	s17 =	sld [smem:$0x3FDB];
	_ =	sdelay $0x1  }
0x96: {  	s2 =	simm.s32 $_scs_section_size  }
0x97: {  	s3 =	simm.s32 $_size__tile_overlayer_lowered;
	s4 =	simm.s32 $_tile_overlayer_lowered  }
0x98: {  	s20 =	simm.s32 $0x1BFF;
	s19 =	sshll.u32 s4, $0x1;
	s1 =	sadd.s32 s2, s17  }
0x99: {  	s5 =	simm.s32 $0x0;
	s18 =	sshll.u32 s3, $0x1;
	s3 =	sadd.s32 s19, s1  }
0x9a: {  	[timem:s5], [sflag:s20] =	dma.local [hbm:s3], s18  }
0x9b: {  	_ =	swait.ge [sflag:s20], s18  }
0x9c: {  	s2 =	ssub.s32 $0x0, s18;
	[sflag:s20] =	ssyncset.done $0x0  }
0x9d: {  	[sflag:s20] =	ssyncadd.s32 s2;
	_ =	sdelay $0x1  }
0x9e: {  	s21 =	simm.s32 $0x1B8B  }
0x9f: {  	_ =	swait.ge [sflag:s21], $0x1  }
0xa0: {  	[sflag:s21] =	ssyncset.done $0x0  }
0xa1: {  	s23 =	simm.s32 $0x1B8E;
	s22 =	sld [smem:$0x3FFE];
	[sflag:s21] =	ssyncadd.s32 $0xFFFFFFFF  }
0xa2: {  	s24 =	simm.s32 $execute0_lowered;
	[smem:$0x3FD2] =	sst s23  }
0xa3: {  	s3 =	sshll.u32 s24, $0x1;
	_ =	strace $0x80000046;
	[dreg:$0x1] =	wrdreg $0xFFFFFFFF  }
0xa4: {  	s25 =	simm.s32 $_size_execute0_lowered;
	s1 =	sadd.s32 s1, s3;
	[dreg:$0x0] =	wrdreg $0x0  }
0xa5: {  	s3 =	sshll.u32 s25, $0x1;
	[dreg:$0x2] =	wrdreg s1  }
0xa6: {  	[dreg:$0x3] =	wrdreg s3  }
0xa7: {  	[dreg:$0x4] =	wrdreg $0xC0  }
0xa8: {  	_ =	task [dreg:s5], $0x5FFFF  }
0xa9: {  	[dreg:$0x1] =	wrdreg $0xFFFFFFFF  }
0xaa: {  	[dreg:$0x0] =	wrdreg $0x60  }
0xab: {  	[dreg:$0x2] =	wrdreg s22  }
0xac: {  	[dreg:$0x3] =	wrdreg s0  }
0xad: {  	[dreg:$0x4] =	wrdreg $0x9  }
0xae: {  	_ =	task.clear_ibuf [dreg:s5], $0x5FFFF;
	_ =	strace $0x90000046  }
0xaf: {  	s26 =	simm.s32 $0x9;
	_ =	strace $0x80000048  }
0xb0: {  	_ =	swait.ge [sflag:s26], $0x1  }
0xb1: {  	[sflag:s26] =	ssyncadd.s32 $0xFFFFFFFF  }
0xb2: {  	_ =	strace $0x90000048  }
0xb3: {  	_ =	sfence  }
0xb4: {  	s28 =	sld [smem:$0x0];
	_ =	sdelay $0x1  }
0xb5: {  	s29 =	srdreg.scid  }
0xb6: {  	s30 =	sshll.u32 s29, $0xD;
	s31 =	sshrl.u32 s29, $0x2  }
0xb7: {  	s2 =	sand.u32 $0x4000, s30;
	s1 =	sand.u32 $0x1, s29;
	s0 =	sadd.s32 s31, s28  }
0xb8: {  	s1 =	sor.u32 s2, s1;
	s0 =	sshll.u32 s0, $0x11  }
0xb9: {  	s0 =	sor.u32 s0, s1  }
0xba: {  	s0 =	sadd.s32 $0x8F2B, s0  }
0xbb: {  	[sflag:s0] =	ssyncadd.remote.s32 $0x1  }
0xbc: {  	_ =	sfence.sel $0xFFFF  }
0xbd: {  	[dreg:$0x0] =	wrdreg $0xFFFFFFFF;
	(pc) =	sbr.abs _section_cstart, $3  }
0xbe: {  	[dreg:$0x1] =	wrdreg $0xFFFFFFFF  }
0xbf: {  	_ =	task.clear_ibuf [dreg:s5], $0x2FFFF;
	_ =	strace $0x9FFFFFFF  }
0xc0: {  	(tm) =	ssettm $0x7FFFFFFF  }
0xc1: {  	_ =	shalt  }
tec
execute0_lowered:
.L_overlay_start_1:
0x0: {  	(tag) =	ssettag $0x1  }
0x1: {  	s0 =	rddreg [dreg:$0x0]  }
0x2: {  	s1 =	rddreg [dreg:$0x1]  }
0x3: {  	s2 =	rddreg [dreg:$0x2];
	_ =	strace $0x80000047;
	s3 =	stileid.u32  }
0x4: {  	s5 =	simm.s32 $0x3E;
	s4 =	sadd.s32 $0xC0400, s0;
	p0 =	sne.s32 s3, $0x0  }
0x5: {  	[sflag:s5] =	ssyncpa.u1 $0x0;
	s6 =	simm.s32 @!p0 $0x1C3E;
	s7 =	simm.s32 @!p0 $0x0  }
0x6: {  	[spmem:s7], [sflag:s6] =	dma.local @!p0 [hbm:s4], $0x10  }
0x7: {  	s6 =	simm.s32 @!p0 $0x3E  }
0x8: {  	_ =	swait.ge @!p0 [sflag:s6], $0x10  }
0x9: {  	[sflag:s6] =	ssyncset.done @!p0 $0x0  }
0xa: {  	[sflag:s6] =	ssyncadd.s32 @!p0 $0xFFFFFFF0  }
0xb: {  	s26 =	simm.s32 $0x1;
	[bflag:$0x0] =	sbarrier.arrive $0xFFFF  }
0xc: {  	s28 =	simm.s32 $0x2;
	s8 =	simm.s32 $0x0;
	[sflag:s5] =	ssyncpa.u1 $0x1  }
0xd: {  	s9 =	simm.s32 $0x18;
	s3 =	sshll.u32 s3, $0x1;
	[sflag:s26] =	ssyncpa.u1 $0x0  }
0xe: {  	s0 =	sadd.s32 s0, s3;
	(ifvalue) =	ssetifvalue $0x80;
	[sflag:s28] =	ssyncpa.u1 $0x0  }
0xf: {  	[tilespmem:s9], [sflag:$0x2] =	stream.linear.gather [hbm4b:s0+s8], $0x10, $0x38;
	[tilespmem:$0x48] =	vst v63  }
0x10: {  	s30 =	simm.s32 $0x38;
	s29 =	sadd.s32 s1, s3  }
0x11: {  	[tilespmem:s30], [sflag:$0x2] =	stream.linear.gather [hbm4b:s29+s8], $0x10, $0x38;
	[tilespmem:$0x48] =	vst v63  }
0x12: {  	_ =	swait.ge [sflag:s28], $0x20  }
0x13: {  	[sflag:s28] =	ssyncset.done $0x0  }
0x14: {  	[sflag:s28] =	ssyncadd.s32 $0xFFFFFFE0  }
0x15: {  	v0 =	vld.msk [tilespmem:s9+$0x0 ss:$0x1], $0xffff;
	_ =	sdelay $0x4  }
0x16: {  	v0 =	vmin.u32 v0, $0x80;
	_ =	sdelay $0x3  }
0x17: {  	vm0 =	vmmov $0xffff  }
0x18: {  	[spmem:s8] =	stream.indirect_vreg.scatter.add.s32 [tilespmem:s30], [sflag:$0x1], $0x1, v0, vm0, $0x4038;
	[tilespmem:$0x48] =	vst v63  }
0x19: {  	_ =	swait.ge [sflag:s26], $0x10  }
0x1a: {  	[sflag:s26] =	ssyncset.done $0x0  }
0x1b: {  	[sflag:s26] =	ssyncadd.s32 $0xFFFFFFF0  }
0x1c: {  	_ =	sfence.sel $0x180000  }
0x1d: {  	[bflag:$0x0] =	sbarrier.arrive $0xFFFF  }
0x1e: {  	[sflag:s28] =	ssyncpa.u1 $0x1  }
0x1f: {  	[sflag:s26] =	ssyncpa.u1 $0x1  }
0x20: {  	_ =	sfence.stream.spmem  }
0x21: {  	s31 =	simm.s32 $0x3D;
	[bflag:$0x0] =	sbarrier.arrive $0xFFFF  }
0x22: {  	s0 =	simm.s32 @p0 $0x3D;
	[sflag:s31] =	ssyncpa.u1 $0x0  }
0x23: {  	[sflag:s0] =	ssyncpa.u1 @p0 $0x1  }
0x24: {  	[bflag:$0x0] =	sbarrier.arrive @p0 $0xFFFF  }
0x25: {  	_ =	strace @p0 $0x90000047  }
0x26: {  	s0 =	simm.s32 @!p0 $0x1C3D;
	[bflag:$0x2] =	sbarrier.arrive @p0 $0xFFFF  }
0x27: {  	[hbm:s4], [sflag:s0] =	dma.local @!p0 [spmem:s7], $0x10  }
0x28: {  	s0 =	simm.s32 @!p0 $0x3D  }
0x29: {  	_ =	swait.ge @!p0 [sflag:s0], $0x10  }
0x2a: {  	[sflag:s0] =	ssyncset.done @!p0 $0x0  }
0x2b: {  	[sflag:s0] =	ssyncadd.s32 @!p0 $0xFFFFFFF0  }
0x2c: {  	[sflag:s0] =	ssyncpa.u1 @!p0 $0x1  }
0x2d: {  	[bflag:$0x0] =	sbarrier.arrive @!p0 $0xFFFF  }
0x2e: {  	_ =	strace @!p0 $0x90000047  }
0x2f: {  	s0 =	sadd.s32 @!p0 $0x100000, s2;
	[bflag:$0x2] =	sbarrier.arrive @!p0 $0xFFFF  }
0x30: {  	[sflag:s0] =	ssyncadd.tile.s32 @!p0 $0x1;
	_ =	shalt  }
.Lfunc_end2:
_tile_overlayer_lowered:
.L_overlay_start_2:
0x31: {  	(tag) =	ssettag $0x2  }
0x32: {  	s0 =	rddreg [dreg:$0x0];
	s2 =	stileid.u32  }
0x33: {  	s1 =	rddreg [dreg:$0x1];
	p0 =	sne.s32 s2, $0x0  }
0x34: {  	s3 =	rddreg [dreg:$0x2];
	[bflag:$0x3] =	sbarrier.arrive $0xFFFF;
	s2 =	simm.s32 @!p0 $0x1C01  }
0x35: {  	[timem:s3], [sflag:s2] =	dma.local @!p0 [hbm:s0], s1  }
0x36: {  	s0 =	simm.s32 @!p0 $0x1  }
0x37: {  	_ =	swait.ge @!p0 [sflag:s0], s1  }
0x38: {  	s1 =	ssub.s32 @!p0 $0x0, s1;
	[sflag:s0] =	ssyncset.done @!p0 $0x0  }
0x39: {  	[sflag:s0] =	ssyncadd.s32 @!p0 s1  }
0x3a: {  	[bflag:$0x3] =	sbarrier.arrive $0xFFFF  }
0x3b: {  	_ =	shalt  }

</sc_bundles>
